<compile_context>
chip_gen: v7x
topology: tpu7x:2x2x1
jax: 0.10.2.dev20260603
libtpu: 0.0.44.dev20260713+nightly
codegen_flags: <defaults>
</compile_context>

<pallas_src>
import functools

import jax
import jax.numpy as jnp
from jax import lax
from jax.experimental import pallas as pl
from jax.experimental.pallas import tpu as pltpu
from jax.experimental.pallas import tpu_sc as plsc

NC = 2
NS = 16
NW = NC * NS

CH = 100


def _make_mp(N, D, E):
    epw = E // NW
    nchunk = epw // CH
    rps = (N // NS) // 8 * 8
    tail = N - NS * rps
    mesh = plsc.VectorSubcoreMesh(core_axis_name="c", subcore_axis_name="s")

    @functools.partial(
        pl.kernel,
        mesh=mesh,
        out_type=jax.ShapeDtypeStruct((NC, N, D), jnp.float32),
        scratch_types=[
            pltpu.VMEM((2, 2, CH), jnp.int32),
            pltpu.VMEM((2, CH, D), jnp.float32),
            pltpu.VMEM_SHARED((N, D), jnp.float32),
            pltpu.SemaphoreType.DMA,
            pltpu.SemaphoreType.DMA,
        ],
    )
    def mp(x_hbm, e_hbm, zeros_hbm, out_hbm, idx_v, rows_v, acc, sem_i, sem_r):
        c = lax.axis_index("c")
        s = lax.axis_index("s")
        wid = s * NC + c
        r0 = s * rps
        pltpu.sync_copy(zeros_hbm.at[pl.ds(r0, rps)], acc.at[pl.ds(r0, rps)])

        @pl.when(s == NS - 1)
        def _():
            pltpu.sync_copy(zeros_hbm.at[pl.ds(NS * rps, tail)],
                            acc.at[pl.ds(NS * rps, tail)])

        pltpu.sync_copy(e_hbm.at[wid, 0], idx_v.at[0])
        plsc.subcore_barrier()
        pltpu.async_copy(x_hbm.at[idx_v.at[0, 0]], rows_v.at[0], sem_r)
        pltpu.async_copy(e_hbm.at[wid, 1], idx_v.at[1], sem_i)

        def body(g, _):
            for b in range(2):
                i = g * 2 + b
                nb = 1 - b
                pltpu.make_async_copy(x_hbm.at[idx_v.at[b, 0]], rows_v.at[b],
                                      sem_r).wait()

                @pl.when(i + 1 < nchunk)
                def _():
                    pltpu.make_async_copy(e_hbm.at[wid, i + 1], idx_v.at[nb],
                                          sem_i).wait()
                    pltpu.async_copy(x_hbm.at[idx_v.at[nb, 0]], rows_v.at[nb],
                                     sem_r)

                pltpu.sync_copy(rows_v.at[b], acc.at[idx_v.at[b, 1]], add=True)

                @pl.when(i + 2 < nchunk)
                def _():
                    pltpu.async_copy(e_hbm.at[wid, i + 2], idx_v.at[b], sem_i)
            return _

        lax.fori_loop(0, nchunk // 2, body, None)
        plsc.subcore_barrier()
        pltpu.sync_copy(acc.at[pl.ds(r0, rps)], out_hbm.at[c, pl.ds(r0, rps)])

        @pl.when(s == NS - 1)
        def _():
            pltpu.sync_copy(acc.at[pl.ds(NS * rps, tail)],
                            out_hbm.at[c, pl.ds(NS * rps, tail)])

    return mp


def _linear_body(x_ref, p_ref, w_ref, b_ref, o_ref):
    rst = x_ref[...] + p_ref[0] + p_ref[1]
    o_ref[...] = lax.dot_general(
        rst, w_ref[...], (((1,), (1,)), ((), ())),
        preferred_element_type=jnp.float32) + b_ref[...]


def kernel(x, edge_index, W, b):
    N, D = x.shape
    E = edge_index.shape[1]
    nchunk = (E // NW) // CH
    src = edge_index[0].astype(jnp.int32).reshape(NW, nchunk, 1, CH)
    dst = edge_index[1].astype(jnp.int32).reshape(NW, nchunk, 1, CH)
    edges = jnp.concatenate([src, dst], axis=2)
    zeros = jnp.zeros((N, D), jnp.float32)
    partials = _make_mp(N, D, E)(x, edges, zeros)

    blk = 1000
    grid = N // blk
    out = pl.pallas_call(
        _linear_body,
        grid=(grid,),
        in_specs=[
            pl.BlockSpec((blk, D), lambda i: (i, 0)),
            pl.BlockSpec((NC, blk, D), lambda i: (0, i, 0)),
            pl.BlockSpec((D, D), lambda i: (0, 0)),
            pl.BlockSpec((1, D), lambda i: (0, 0)),
        ],
        out_specs=pl.BlockSpec((blk, D), lambda i: (i, 0)),
        out_shape=jax.ShapeDtypeStruct((N, D), jnp.float32),
    )(x, partials, W, jnp.reshape(b, (1, D)))
    return out

# --- scband reference (transcript-rebuilt; emitter-appended) ---
"""Pipeline reference for scband-ginconv-53163105190017 (READ-ONLY COPY).

The authoritative reference and input builder live on the scoring server;
editing this copy changes nothing except your own understanding.
"""

import jax, jax.numpy as jnp
import numpy as np

N_NODES = 10000
N_EDGES = 320000
D_IN = 128
D_OUT = 128
EPS = 0.0


def setup_inputs(seed: int = 0) -> dict:
    key = jax.random.key(seed)
    k1, k2, k3, k4 = jax.random.split(key, 4)
    x = jax.random.normal(k1, (N_NODES, D_IN), dtype=jnp.float32)
    edge_index = jax.random.randint(k2, (2, N_EDGES), 0, N_NODES, dtype=jnp.int64)
    # Linear layer params (xavier-normal-ish init, gain for relu)
    gain = float(np.sqrt(2.0))
    std = gain * float(np.sqrt(2.0 / (D_IN + D_OUT)))
    W = jax.random.normal(k3, (D_OUT, D_IN), dtype=jnp.float32) * std
    b = jnp.zeros((D_OUT,), dtype=jnp.float32)
    return {"x": x, "edge_index": edge_index, "W": W, "b": b}


def reference(x, edge_index, W, b):
    src = edge_index[0]
    dst = edge_index[1]
    # message passing: gather src features, scatter-add (sum aggregator) to dst
    msgs = jnp.take(x, src, axis=0)
    neigh = jax.ops.segment_sum(msgs, dst, num_segments=N_NODES)
    rst = (1.0 + EPS) * x + neigh
    # apply linear f_Theta
    out = rst @ W.T + b
    return out

if __name__ == "__main__":
    import jax
    _d = setup_inputs()
    print(jax.jit(kernel)(*tuple(_d.values())))

</pallas_src>

<mosaic_0001>
#map = affine_map<(d0, d1) -> (0, 0)>
#map1 = affine_map<(d0, d1) -> (0, 0, 0, 0)>
#map2 = affine_map<(d0, d1) -> (0, 0, 0)>
module attributes {stable_mosaic.version = 14 : i64} {
  func.func @mp(%arg0: i32, %arg1: i32, %arg2: memref<10000x128xf32, #tpu.memory_space<hbm>>, %arg3: memref<32x100x2x100xi32, #tpu.memory_space<hbm>>, %arg4: memref<10000x128xf32, #tpu.memory_space<hbm>>, %arg5: memref<2x10000x128xf32, #tpu.memory_space<hbm>>, %arg6: memref<2x2x100xi32, #tpu.memory_space<vmem>>, %arg7: memref<2x100x128xf32, #tpu.memory_space<vmem>>, %arg8: memref<10000x128xf32, #tpu.memory_space<vmem_shared>>, %arg9: memref<!tpu.dma_semaphore, #tpu.memory_space<semaphore_mem>>, %arg10: memref<!tpu.dma_semaphore, #tpu.memory_space<semaphore_mem>>) attributes {dimension_semantics = [#tpu.dimension_semantics<core_parallel>, #tpu.dimension_semantics<subcore_parallel>], iteration_bounds = array<i64: 2, 16>, scalar_prefetch = 0 : i64, scratch_operands = 5 : i64, tpu.core_type = #tpu.core_type<sc_vector_subcore>, window_params = [{transform_indices = #map}, {transform_indices = #map1}, {transform_indices = #map}, {transform_indices = #map2}]} {
    %mul3A = arith.constant 2 : i32
    %mul3A_0 = arith.muli %arg1, %mul3A : i32
    %add3A = arith.addi %mul3A_0, %arg0 : i32
    %mul3A_1 = arith.constant 624 : i32
    %mul3A_2 = arith.muli %arg1, %mul3A_1 : i32
    "tpu.region"() ({
      %run_scoped3A_46 = tpu.sem_alloc : memref<!tpu.dma_semaphore, #tpu.memory_space<semaphore_mem>>
      %dma_start3A_47 = arith.constant 0 : i32
      %dma_start3A_48 = tpu.memref_slice %arg8[%mul3A_2, %dma_start3A_47] : memref<10000x128xf32, #tpu.memory_space<vmem_shared>> -> memref<624x128xf32, #tpu.memory_space<vmem_shared>>
      %dma_start3A_49 = arith.constant 0 : i32
      %dma_start3A_50 = tpu.memref_slice %arg4[%mul3A_2, %dma_start3A_49] : memref<10000x128xf32, #tpu.memory_space<hbm>> -> memref<624x128xf32, #tpu.memory_space<hbm>>
      tpu.enqueue_dma source(%dma_start3A_50 : memref<624x128xf32, #tpu.memory_space<hbm>>) target(%dma_start3A_48 : memref<624x128xf32, #tpu.memory_space<vmem_shared>>) target_semaphore(%run_scoped3A_46 : memref<!tpu.dma_semaphore, #tpu.memory_space<semaphore_mem>>)
      %dma_wait3A = arith.constant 0 : i32
      %dma_wait3A_51 = tpu.memref_slice %arg8[%mul3A_2, %dma_wait3A] : memref<10000x128xf32, #tpu.memory_space<vmem_shared>> -> memref<624x128xf32, #tpu.memory_space<vmem_shared>>
      %dma_wait3A_52 = arith.constant 0 : i32
      %dma_wait3A_53 = tpu.memref_slice %arg4[%mul3A_2, %dma_wait3A_52] : memref<10000x128xf32, #tpu.memory_space<hbm>> -> memref<624x128xf32, #tpu.memory_space<hbm>>
      tpu.wait_dma2 semaphore(%run_scoped3A_46 : memref<!tpu.dma_semaphore, #tpu.memory_space<semaphore_mem>>) src(%dma_wait3A_53 : memref<624x128xf32, #tpu.memory_space<hbm>>) dst(%dma_wait3A_51 : memref<624x128xf32, #tpu.memory_space<vmem_shared>>)
      tpu.yield
    }) : () -> ()
    %eq3A = arith.constant 15 : i32
    %eq3A_3 = arith.cmpi eq, %arg1, %eq3A : i32
    %convert_element_type3A = arith.extui %eq3A_3 : i1 to i32
    %cond3A = arith.constant 0 : i32
    %cond3A_4 = arith.cmpi ne, %convert_element_type3A, %cond3A : i32
    scf.if %cond3A_4 {
      "tpu.region"() ({
        %run_scoped3A_46 = tpu.sem_alloc : memref<!tpu.dma_semaphore, #tpu.memory_space<semaphore_mem>>
        %dma_start3A_47 = arith.constant 9984 : i32
        %dma_start3A_48 = arith.constant 0 : i32
        %dma_start3A_49 = tpu.memref_slice %arg8[%dma_start3A_47, %dma_start3A_48] : memref<10000x128xf32, #tpu.memory_space<vmem_shared>> -> memref<16x128xf32, #tpu.memory_space<vmem_shared>>
        %dma_start3A_50 = arith.constant 9984 : i32
        %dma_start3A_51 = arith.constant 0 : i32
        %dma_start3A_52 = tpu.memref_slice %arg4[%dma_start3A_50, %dma_start3A_51] : memref<10000x128xf32, #tpu.memory_space<hbm>> -> memref<16x128xf32, #tpu.memory_space<hbm>>
        tpu.enqueue_dma source(%dma_start3A_52 : memref<16x128xf32, #tpu.memory_space<hbm>>) target(%dma_start3A_49 : memref<16x128xf32, #tpu.memory_space<vmem_shared>>) target_semaphore(%run_scoped3A_46 : memref<!tpu.dma_semaphore, #tpu.memory_space<semaphore_mem>>)
        %dma_wait3A = arith.constant 9984 : i32
        %dma_wait3A_53 = arith.constant 0 : i32
        %dma_wait3A_54 = tpu.memref_slice %arg8[%dma_wait3A, %dma_wait3A_53] : memref<10000x128xf32, #tpu.memory_space<vmem_shared>> -> memref<16x128xf32, #tpu.memory_space<vmem_shared>>
        %dma_wait3A_55 = arith.constant 9984 : i32
        %dma_wait3A_56 = arith.constant 0 : i32
        %dma_wait3A_57 = tpu.memref_slice %arg4[%dma_wait3A_55, %dma_wait3A_56] : memref<10000x128xf32, #tpu.memory_space<hbm>> -> memref<16x128xf32, #tpu.memory_space<hbm>>
        tpu.wait_dma2 semaphore(%run_scoped3A_46 : memref<!tpu.dma_semaphore, #tpu.memory_space<semaphore_mem>>) src(%dma_wait3A_57 : memref<16x128xf32, #tpu.memory_space<hbm>>) dst(%dma_wait3A_54 : memref<16x128xf32, #tpu.memory_space<vmem_shared>>)
        tpu.yield
      }) : () -> ()
    } else {
    }
    %run_scoped3A = arith.constant 0 : i32
    %run_scoped3A_5 = arith.constant 0 : i32
    "tpu.region"() ({
      %run_scoped3A_46 = tpu.sem_alloc : memref<!tpu.dma_semaphore, #tpu.memory_space<semaphore_mem>>
      %dma_start3A_47 = arith.constant 0 : i32
      %dma_start3A_48 = arith.constant 0 : i32
      %dma_start3A_49 = tpu.memref_slice %arg6[%run_scoped3A_5, %dma_start3A_47, %dma_start3A_48] : memref<2x2x100xi32, #tpu.memory_space<vmem>> -> memref<1x2x100xi32, #tpu.memory_space<vmem>>
      %dma_start3A_50 = tpu.memref_squeeze %dma_start3A_49 : memref<1x2x100xi32, #tpu.memory_space<vmem>> -> memref<2x100xi32, #tpu.memory_space<vmem>>
      %dma_start3A_51 = arith.constant 0 : i32
      %dma_start3A_52 = arith.constant 0 : i32
      %dma_start3A_53 = tpu.memref_slice %arg3[%add3A, %run_scoped3A, %dma_start3A_51, %dma_start3A_52] : memref<32x100x2x100xi32, #tpu.memory_space<hbm>> -> memref<1x1x2x100xi32, #tpu.memory_space<hbm>>
      %dma_start3A_54 = tpu.memref_squeeze %dma_start3A_53 : memref<1x1x2x100xi32, #tpu.memory_space<hbm>> -> memref<2x100xi32, #tpu.memory_space<hbm>>
      %dma_start3A_55 = arith.constant 0 : i32
      %dma_start3A_56 = arith.constant 0 : i32
      %dma_start3A_57 = tpu.memref_slice %arg6[%run_scoped3A_5, %dma_start3A_55, %dma_start3A_56] : memref<2x2x100xi32, #tpu.memory_space<vmem>> -> memref<1x2x100xi32, #tpu.memory_space<vmem>>
      %dma_start3A_58 = tpu.memref_squeeze %dma_start3A_57 : memref<1x2x100xi32, #tpu.memory_space<vmem>> -> memref<2x100xi32, #tpu.memory_space<vmem>>
      %dma_start3A_59 = arith.constant 0 : i32
      %dma_start3A_60 = arith.constant 0 : i32
      %dma_start3A_61 = tpu.memref_slice %arg3[%add3A, %run_scoped3A, %dma_start3A_59, %dma_start3A_60] : memref<32x100x2x100xi32, #tpu.memory_space<hbm>> -> memref<1x1x2x100xi32, #tpu.memory_space<hbm>>
      %dma_start3A_62 = tpu.memref_squeeze %dma_start3A_61 : memref<1x1x2x100xi32, #tpu.memory_space<hbm>> -> memref<2x100xi32, #tpu.memory_space<hbm>>
      tpu.enqueue_dma source(%dma_start3A_62 : memref<2x100xi32, #tpu.memory_space<hbm>>) target(%dma_start3A_58 : memref<2x100xi32, #tpu.memory_space<vmem>>) target_semaphore(%run_scoped3A_46 : memref<!tpu.dma_semaphore, #tpu.memory_space<semaphore_mem>>)
      %dma_wait3A = arith.constant 0 : i32
      %dma_wait3A_63 = arith.constant 0 : i32
      %dma_wait3A_64 = tpu.memref_slice %arg6[%run_scoped3A_5, %dma_wait3A, %dma_wait3A_63] : memref<2x2x100xi32, #tpu.memory_space<vmem>> -> memref<1x2x100xi32, #tpu.memory_space<vmem>>
      %dma_wait3A_65 = tpu.memref_squeeze %dma_wait3A_64 : memref<1x2x100xi32, #tpu.memory_space<vmem>> -> memref<2x100xi32, #tpu.memory_space<vmem>>
      %dma_wait3A_66 = arith.constant 0 : i32
      %dma_wait3A_67 = arith.constant 0 : i32
      %dma_wait3A_68 = tpu.memref_slice %arg3[%add3A, %run_scoped3A, %dma_wait3A_66, %dma_wait3A_67] : memref<32x100x2x100xi32, #tpu.memory_space<hbm>> -> memref<1x1x2x100xi32, #tpu.memory_space<hbm>>
      %dma_wait3A_69 = tpu.memref_squeeze %dma_wait3A_68 : memref<1x1x2x100xi32, #tpu.memory_space<hbm>> -> memref<2x100xi32, #tpu.memory_space<hbm>>
      %dma_wait3A_70 = arith.constant 0 : i32
      %dma_wait3A_71 = arith.constant 0 : i32
      %dma_wait3A_72 = tpu.memref_slice %arg6[%run_scoped3A_5, %dma_wait3A_70, %dma_wait3A_71] : memref<2x2x100xi32, #tpu.memory_space<vmem>> -> memref<1x2x100xi32, #tpu.memory_space<vmem>>
      %dma_wait3A_73 = tpu.memref_squeeze %dma_wait3A_72 : memref<1x2x100xi32, #tpu.memory_space<vmem>> -> memref<2x100xi32, #tpu.memory_space<vmem>>
      %dma_wait3A_74 = arith.constant 0 : i32
      %dma_wait3A_75 = arith.constant 0 : i32
      %dma_wait3A_76 = tpu.memref_slice %arg3[%add3A, %run_scoped3A, %dma_wait3A_74, %dma_wait3A_75] : memref<32x100x2x100xi32, #tpu.memory_space<hbm>> -> memref<1x1x2x100xi32, #tpu.memory_space<hbm>>
      %dma_wait3A_77 = tpu.memref_squeeze %dma_wait3A_76 : memref<1x1x2x100xi32, #tpu.memory_space<hbm>> -> memref<2x100xi32, #tpu.memory_space<hbm>>
      tpu.wait_dma2 semaphore(%run_scoped3A_46 : memref<!tpu.dma_semaphore, #tpu.memory_space<semaphore_mem>>) src(%dma_wait3A_77 : memref<2x100xi32, #tpu.memory_space<hbm>>) dst(%dma_wait3A_73 : memref<2x100xi32, #tpu.memory_space<vmem>>)
      tpu.yield
    }) : () -> ()
    %barrier3A = arith.constant 0 : index
    tpu.barrier barrier_id(%barrier3A)
    %dma_start3A = arith.constant 0 : i32
    %dma_start3A_6 = arith.constant 0 : i32
    %dma_start3A_7 = arith.constant 0 : i32
    %dma_start3A_8 = arith.constant 0 : i32
    %dma_start3A_9 = arith.constant 0 : i32
    %dma_start3A_10 = tpu.memref_slice %arg7[%dma_start3A_7, %dma_start3A_8, %dma_start3A_9] : memref<2x100x128xf32, #tpu.memory_space<vmem>> -> memref<1x100x128xf32, #tpu.memory_space<vmem>>
    %dma_start3A_11 = tpu.memref_squeeze %dma_start3A_10 : memref<1x100x128xf32, #tpu.memory_space<vmem>> -> memref<100x128xf32, #tpu.memory_space<vmem>>
    %dma_start3A_12 = arith.constant 0 : i32
    %dma_start3A_13 = tpu.memref_slice %arg6[%dma_start3A, %dma_start3A_6, %dma_start3A_12] : memref<2x2x100xi32, #tpu.memory_space<vmem>> -> memref<1x1x100xi32, #tpu.memory_space<vmem>>
    %dma_start3A_14 = tpu.memref_squeeze %dma_start3A_13 : memref<1x1x100xi32, #tpu.memory_space<vmem>> -> memref<100xi32, #tpu.memory_space<vmem>>
    %dma_start3A_15 = arith.constant 0 : i32
    %dma_start3A_16 = arith.constant 0 : i32
    %dma_start3A_17 = tpu.memref_slice %arg2[%dma_start3A_15, %dma_start3A_16] : memref<10000x128xf32, #tpu.memory_space<hbm>> -> memref<10000x128xf32, #tpu.memory_space<hbm>>
    tpu.enqueue_indirect_dma source(%dma_start3A_17 : memref<10000x128xf32, #tpu.memory_space<hbm>>) target(%dma_start3A_11 : memref<100x128xf32, #tpu.memory_space<vmem>>) offsets(%dma_start3A_14 : memref<100xi32, #tpu.memory_space<vmem>>) semaphore(%arg10 : memref<!tpu.dma_semaphore, #tpu.memory_space<semaphore_mem>>)
    %dma_start3A_18 = arith.constant 1 : i32
    %dma_start3A_19 = arith.constant 1 : i32
    %dma_start3A_20 = arith.constant 0 : i32
    %dma_start3A_21 = arith.constant 0 : i32
    %dma_start3A_22 = tpu.memref_slice %arg6[%dma_start3A_19, %dma_start3A_20, %dma_start3A_21] : memref<2x2x100xi32, #tpu.memory_space<vmem>> -> memref<1x2x100xi32, #tpu.memory_space<vmem>>
    %dma_start3A_23 = tpu.memref_squeeze %dma_start3A_22 : memref<1x2x100xi32, #tpu.memory_space<vmem>> -> memref<2x100xi32, #tpu.memory_space<vmem>>
    %dma_start3A_24 = arith.constant 0 : i32
    %dma_start3A_25 = arith.constant 0 : i32
    %dma_start3A_26 = tpu.memref_slice %arg3[%add3A, %dma_start3A_18, %dma_start3A_24, %dma_start3A_25] : memref<32x100x2x100xi32, #tpu.memory_space<hbm>> -> memref<1x1x2x100xi32, #tpu.memory_space<hbm>>
    %dma_start3A_27 = tpu.memref_squeeze %dma_start3A_26 : memref<1x1x2x100xi32, #tpu.memory_space<hbm>> -> memref<2x100xi32, #tpu.memory_space<hbm>>
    %dma_start3A_28 = arith.constant 0 : i32
    %dma_start3A_29 = arith.constant 0 : i32
    %dma_start3A_30 = tpu.memref_slice %arg6[%dma_start3A_19, %dma_start3A_28, %dma_start3A_29] : memref<2x2x100xi32, #tpu.memory_space<vmem>> -> memref<1x2x100xi32, #tpu.memory_space<vmem>>
    %dma_start3A_31 = tpu.memref_squeeze %dma_start3A_30 : memref<1x2x100xi32, #tpu.memory_space<vmem>> -> memref<2x100xi32, #tpu.memory_space<vmem>>
    %dma_start3A_32 = arith.constant 0 : i32
    %dma_start3A_33 = arith.constant 0 : i32
    %dma_start3A_34 = tpu.memref_slice %arg3[%add3A, %dma_start3A_18, %dma_start3A_32, %dma_start3A_33] : memref<32x100x2x100xi32, #tpu.memory_space<hbm>> -> memref<1x1x2x100xi32, #tpu.memory_space<hbm>>
    %dma_start3A_35 = tpu.memref_squeeze %dma_start3A_34 : memref<1x1x2x100xi32, #tpu.memory_space<hbm>> -> memref<2x100xi32, #tpu.memory_space<hbm>>
    tpu.enqueue_dma source(%dma_start3A_35 : memref<2x100xi32, #tpu.memory_space<hbm>>) target(%dma_start3A_31 : memref<2x100xi32, #tpu.memory_space<vmem>>) target_semaphore(%arg9 : memref<!tpu.dma_semaphore, #tpu.memory_space<semaphore_mem>>)
    %scan3A = arith.constant 0 : i32
    %scan3A_36 = arith.constant 50 : i32
    %scan3A_37 = arith.addi %scan3A, %scan3A_36 : i32
    %scan3A_38 = arith.constant 1 : i32
    scf.for %scan3A_46 = %scan3A to %scan3A_37 step %scan3A_38  : i32 {
      %mul3A_47 = arith.constant 2 : i32
      %mul3A_48 = arith.muli %scan3A_46, %mul3A_47 : i32
      %add3A_49 = arith.constant 0 : i32
      %add3A_50 = arith.addi %mul3A_48, %add3A_49 : i32
      %dma_wait3A = arith.constant 0 : i32
      %dma_wait3A_51 = arith.constant 0 : i32
      %dma_wait3A_52 = arith.constant 0 : i32
      %dma_wait3A_53 = arith.constant 0 : i32
      %dma_wait3A_54 = arith.constant 0 : i32
      %dma_wait3A_55 = tpu.memref_slice %arg7[%dma_wait3A_52, %dma_wait3A_53, %dma_wait3A_54] : memref<2x100x128xf32, #tpu.memory_space<vmem>> -> memref<1x100x128xf32, #tpu.memory_space<vmem>>
      %dma_wait3A_56 = tpu.memref_squeeze %dma_wait3A_55 : memref<1x100x128xf32, #tpu.memory_space<vmem>> -> memref<100x128xf32, #tpu.memory_space<vmem>>
      %dma_wait3A_57 = arith.constant 0 : i32
      %dma_wait3A_58 = tpu.memref_slice %arg6[%dma_wait3A, %dma_wait3A_51, %dma_wait3A_57] : memref<2x2x100xi32, #tpu.memory_space<vmem>> -> memref<1x1x100xi32, #tpu.memory_space<vmem>>
      %dma_wait3A_59 = tpu.memref_squeeze %dma_wait3A_58 : memref<1x1x100xi32, #tpu.memory_space<vmem>> -> memref<100xi32, #tpu.memory_space<vmem>>
      %dma_wait3A_60 = arith.constant 0 : i32
      %dma_wait3A_61 = arith.constant 0 : i32
      %dma_wait3A_62 = tpu.memref_slice %arg2[%dma_wait3A_60, %dma_wait3A_61] : memref<10000x128xf32, #tpu.memory_space<hbm>> -> memref<10000x128xf32, #tpu.memory_space<hbm>>
      tpu.wait_indirect_dma semaphore(%arg10 : memref<!tpu.dma_semaphore, #tpu.memory_space<semaphore_mem>>) src(%dma_wait3A_62 : memref<10000x128xf32, #tpu.memory_space<hbm>>) dst(%dma_wait3A_56 : memref<100x128xf32, #tpu.memory_space<vmem>>)
      %add3A_63 = arith.constant 1 : i32
      %add3A_64 = arith.addi %add3A_50, %add3A_63 : i32
      %lt3A = arith.constant 100 : i32
      %lt3A_65 = arith.cmpi slt, %add3A_64, %lt3A : i32
      %convert_element_type3A_66 = arith.extui %lt3A_65 : i1 to i32
      %cond3A_67 = arith.constant 0 : i32
      %cond3A_68 = arith.cmpi ne, %convert_element_type3A_66, %cond3A_67 : i32
      scf.if %cond3A_68 {
        %add3A_113 = arith.constant 1 : i32
        %add3A_114 = arith.addi %add3A_50, %add3A_113 : i32
        %dma_wait3A_115 = arith.constant 1 : i32
        %dma_wait3A_116 = arith.constant 0 : i32
        %dma_wait3A_117 = arith.constant 0 : i32
        %dma_wait3A_118 = tpu.memref_slice %arg6[%dma_wait3A_115, %dma_wait3A_116, %dma_wait3A_117] : memref<2x2x100xi32, #tpu.memory_space<vmem>> -> memref<1x2x100xi32, #tpu.memory_space<vmem>>
        %dma_wait3A_119 = tpu.memref_squeeze %dma_wait3A_118 : memref<1x2x100xi32, #tpu.memory_space<vmem>> -> memref<2x100xi32, #tpu.memory_space<vmem>>
        %dma_wait3A_120 = arith.constant 0 : i32
        %dma_wait3A_121 = arith.constant 0 : i32
        %dma_wait3A_122 = tpu.memref_slice %arg3[%add3A, %add3A_114, %dma_wait3A_120, %dma_wait3A_121] : memref<32x100x2x100xi32, #tpu.memory_space<hbm>> -> memref<1x1x2x100xi32, #tpu.memory_space<hbm>>
        %dma_wait3A_123 = tpu.memref_squeeze %dma_wait3A_122 : memref<1x1x2x100xi32, #tpu.memory_space<hbm>> -> memref<2x100xi32, #tpu.memory_space<hbm>>
        %dma_wait3A_124 = arith.constant 0 : i32
        %dma_wait3A_125 = arith.constant 0 : i32
        %dma_wait3A_126 = tpu.memref_slice %arg6[%dma_wait3A_115, %dma_wait3A_124, %dma_wait3A_125] : memref<2x2x100xi32, #tpu.memory_space<vmem>> -> memref<1x2x100xi32, #tpu.memory_space<vmem>>
        %dma_wait3A_127 = tpu.memref_squeeze %dma_wait3A_126 : memref<1x2x100xi32, #tpu.memory_space<vmem>> -> memref<2x100xi32, #tpu.memory_space<vmem>>
        %dma_wait3A_128 = arith.constant 0 : i32
        %dma_wait3A_129 = arith.constant 0 : i32
        %dma_wait3A_130 = tpu.memref_slice %arg3[%add3A, %add3A_114, %dma_wait3A_128, %dma_wait3A_129] : memref<32x100x2x100xi32, #tpu.memory_space<hbm>> -> memref<1x1x2x100xi32, #tpu.memory_space<hbm>>
        %dma_wait3A_131 = tpu.memref_squeeze %dma_wait3A_130 : memref<1x1x2x100xi32, #tpu.memory_space<hbm>> -> memref<2x100xi32, #tpu.memory_space<hbm>>
        tpu.wait_dma2 semaphore(%arg9 : memref<!tpu.dma_semaphore, #tpu.memory_space<semaphore_mem>>) src(%dma_wait3A_131 : memref<2x100xi32, #tpu.memory_space<hbm>>) dst(%dma_wait3A_127 : memref<2x100xi32, #tpu.memory_space<vmem>>)
        %dma_start3A_132 = arith.constant 1 : i32
        %dma_start3A_133 = arith.constant 0 : i32
        %dma_start3A_134 = arith.constant 1 : i32
        %dma_start3A_135 = arith.constant 0 : i32
        %dma_start3A_136 = arith.constant 0 : i32
        %dma_start3A_137 = tpu.memref_slice %arg7[%dma_start3A_134, %dma_start3A_135, %dma_start3A_136] : memref<2x100x128xf32, #tpu.memory_space<vmem>> -> memref<1x100x128xf32, #tpu.memory_space<vmem>>
        %dma_start3A_138 = tpu.memref_squeeze %dma_start3A_137 : memref<1x100x128xf32, #tpu.memory_space<vmem>> -> memref<100x128xf32, #tpu.memory_space<vmem>>
        %dma_start3A_139 = arith.constant 0 : i32
        %dma_start3A_140 = tpu.memref_slice %arg6[%dma_start3A_132, %dma_start3A_133, %dma_start3A_139] : memref<2x2x100xi32, #tpu.memory_space<vmem>> -> memref<1x1x100xi32, #tpu.memory_space<vmem>>
        %dma_start3A_141 = tpu.memref_squeeze %dma_start3A_140 : memref<1x1x100xi32, #tpu.memory_space<vmem>> -> memref<100xi32, #tpu.memory_space<vmem>>
        %dma_start3A_142 = arith.constant 0 : i32
        %dma_start3A_143 = arith.constant 0 : i32
        %dma_start3A_144 = tpu.memref_slice %arg2[%dma_start3A_142, %dma_start3A_143] : memref<10000x128xf32, #tpu.memory_space<hbm>> -> memref<10000x128xf32, #tpu.memory_space<hbm>>
        tpu.enqueue_indirect_dma source(%dma_start3A_144 : memref<10000x128xf32, #tpu.memory_space<hbm>>) target(%dma_start3A_138 : memref<100x128xf32, #tpu.memory_space<vmem>>) offsets(%dma_start3A_141 : memref<100xi32, #tpu.memory_space<vmem>>) semaphore(%arg10 : memref<!tpu.dma_semaphore, #tpu.memory_space<semaphore_mem>>)
      } else {
      }
      %run_scoped3A_69 = arith.constant 0 : i32
      %run_scoped3A_70 = arith.constant 0 : i32
      %run_scoped3A_71 = arith.constant 1 : i32
      "tpu.region"() ({
        %run_scoped3A_113 = tpu.sem_alloc : memref<!tpu.dma_semaphore, #tpu.memory_space<semaphore_mem>>
        %dma_start3A_114 = arith.constant 0 : i32
        %dma_start3A_115 = arith.constant 0 : i32
        %dma_start3A_116 = tpu.memref_slice %arg7[%run_scoped3A_69, %dma_start3A_114, %dma_start3A_115] : memref<2x100x128xf32, #tpu.memory_space<vmem>> -> memref<1x100x128xf32, #tpu.memory_space<vmem>>
        %dma_start3A_117 = tpu.memref_squeeze %dma_start3A_116 : memref<1x100x128xf32, #tpu.memory_space<vmem>> -> memref<100x128xf32, #tpu.memory_space<vmem>>
        %dma_start3A_118 = arith.constant 0 : i32
        %dma_start3A_119 = tpu.memref_slice %arg6[%run_scoped3A_70, %run_scoped3A_71, %dma_start3A_118] : memref<2x2x100xi32, #tpu.memory_space<vmem>> -> memref<1x1x100xi32, #tpu.memory_space<vmem>>
        %dma_start3A_120 = tpu.memref_squeeze %dma_start3A_119 : memref<1x1x100xi32, #tpu.memory_space<vmem>> -> memref<100xi32, #tpu.memory_space<vmem>>
        %dma_start3A_121 = arith.constant 0 : i32
        %dma_start3A_122 = arith.constant 0 : i32
        %dma_start3A_123 = tpu.memref_slice %arg8[%dma_start3A_121, %dma_start3A_122] : memref<10000x128xf32, #tpu.memory_space<vmem_shared>> -> memref<10000x128xf32, #tpu.memory_space<vmem_shared>>
        tpu.enqueue_indirect_dma source(%dma_start3A_117 : memref<100x128xf32, #tpu.memory_space<vmem>>) target(%dma_start3A_123 : memref<10000x128xf32, #tpu.memory_space<vmem_shared>>) offsets(%dma_start3A_120 : memref<100xi32, #tpu.memory_space<vmem>>) semaphore(%run_scoped3A_113 : memref<!tpu.dma_semaphore, #tpu.memory_space<semaphore_mem>>) {add = true}
        %dma_wait3A_124 = arith.constant 0 : i32
        %dma_wait3A_125 = arith.constant 0 : i32
        %dma_wait3A_126 = tpu.memref_slice %arg7[%run_scoped3A_69, %dma_wait3A_124, %dma_wait3A_125] : memref<2x100x128xf32, #tpu.memory_space<vmem>> -> memref<1x100x128xf32, #tpu.memory_space<vmem>>
        %dma_wait3A_127 = tpu.memref_squeeze %dma_wait3A_126 : memref<1x100x128xf32, #tpu.memory_space<vmem>> -> memref<100x128xf32, #tpu.memory_space<vmem>>
        %dma_wait3A_128 = arith.constant 0 : i32
        %dma_wait3A_129 = tpu.memref_slice %arg6[%run_scoped3A_70, %run_scoped3A_71, %dma_wait3A_128] : memref<2x2x100xi32, #tpu.memory_space<vmem>> -> memref<1x1x100xi32, #tpu.memory_space<vmem>>
        %dma_wait3A_130 = tpu.memref_squeeze %dma_wait3A_129 : memref<1x1x100xi32, #tpu.memory_space<vmem>> -> memref<100xi32, #tpu.memory_space<vmem>>
        %dma_wait3A_131 = arith.constant 0 : i32
        %dma_wait3A_132 = arith.constant 0 : i32
        %dma_wait3A_133 = tpu.memref_slice %arg8[%dma_wait3A_131, %dma_wait3A_132] : memref<10000x128xf32, #tpu.memory_space<vmem_shared>> -> memref<10000x128xf32, #tpu.memory_space<vmem_shared>>
        tpu.wait_indirect_dma semaphore(%run_scoped3A_113 : memref<!tpu.dma_semaphore, #tpu.memory_space<semaphore_mem>>) src(%dma_wait3A_127 : memref<100x128xf32, #tpu.memory_space<vmem>>) dst(%dma_wait3A_133 : memref<10000x128xf32, #tpu.memory_space<vmem_shared>>)
        tpu.yield
      }) : () -> ()
      %add3A_72 = arith.constant 2 : i32
      %add3A_73 = arith.addi %add3A_50, %add3A_72 : i32
      %lt3A_74 = arith.constant 100 : i32
      %lt3A_75 = arith.cmpi slt, %add3A_73, %lt3A_74 : i32
      %convert_element_type3A_76 = arith.extui %lt3A_75 : i1 to i32
      %cond3A_77 = arith.constant 0 : i32
      %cond3A_78 = arith.cmpi ne, %convert_element_type3A_76, %cond3A_77 : i32
      scf.if %cond3A_78 {
        %add3A_113 = arith.constant 2 : i32
        %add3A_114 = arith.addi %add3A_50, %add3A_113 : i32
        %dma_start3A_115 = arith.constant 0 : i32
        %dma_start3A_116 = arith.constant 0 : i32
        %dma_start3A_117 = arith.constant 0 : i32
        %dma_start3A_118 = tpu.memref_slice %arg6[%dma_start3A_115, %dma_start3A_116, %dma_start3A_117] : memref<2x2x100xi32, #tpu.memory_space<vmem>> -> memref<1x2x100xi32, #tpu.memory_space<vmem>>
        %dma_start3A_119 = tpu.memref_squeeze %dma_start3A_118 : memref<1x2x100xi32, #tpu.memory_space<vmem>> -> memref<2x100xi32, #tpu.memory_space<vmem>>
        %dma_start3A_120 = arith.constant 0 : i32
        %dma_start3A_121 = arith.constant 0 : i32
        %dma_start3A_122 = tpu.memref_slice %arg3[%add3A, %add3A_114, %dma_start3A_120, %dma_start3A_121] : memref<32x100x2x100xi32, #tpu.memory_space<hbm>> -> memref<1x1x2x100xi32, #tpu.memory_space<hbm>>
        %dma_start3A_123 = tpu.memref_squeeze %dma_start3A_122 : memref<1x1x2x100xi32, #tpu.memory_space<hbm>> -> memref<2x100xi32, #tpu.memory_space<hbm>>
        %dma_start3A_124 = arith.constant 0 : i32
        %dma_start3A_125 = arith.constant 0 : i32
        %dma_start3A_126 = tpu.memref_slice %arg6[%dma_start3A_115, %dma_start3A_124, %dma_start3A_125] : memref<2x2x100xi32, #tpu.memory_space<vmem>> -> memref<1x2x100xi32, #tpu.memory_space<vmem>>
        %dma_start3A_127 = tpu.memref_squeeze %dma_start3A_126 : memref<1x2x100xi32, #tpu.memory_space<vmem>> -> memref<2x100xi32, #tpu.memory_space<vmem>>
        %dma_start3A_128 = arith.constant 0 : i32
        %dma_start3A_129 = arith.constant 0 : i32
        %dma_start3A_130 = tpu.memref_slice %arg3[%add3A, %add3A_114, %dma_start3A_128, %dma_start3A_129] : memref<32x100x2x100xi32, #tpu.memory_space<hbm>> -> memref<1x1x2x100xi32, #tpu.memory_space<hbm>>
        %dma_start3A_131 = tpu.memref_squeeze %dma_start3A_130 : memref<1x1x2x100xi32, #tpu.memory_space<hbm>> -> memref<2x100xi32, #tpu.memory_space<hbm>>
        tpu.enqueue_dma source(%dma_start3A_131 : memref<2x100xi32, #tpu.memory_space<hbm>>) target(%dma_start3A_127 : memref<2x100xi32, #tpu.memory_space<vmem>>) target_semaphore(%arg9 : memref<!tpu.dma_semaphore, #tpu.memory_space<semaphore_mem>>)
      } else {
      }
      %mul3A_79 = arith.constant 2 : i32
      %mul3A_80 = arith.muli %scan3A_46, %mul3A_79 : i32
      %add3A_81 = arith.constant 1 : i32
      %add3A_82 = arith.addi %mul3A_80, %add3A_81 : i32
      %dma_wait3A_83 = arith.constant 1 : i32
      %dma_wait3A_84 = arith.constant 0 : i32
      %dma_wait3A_85 = arith.constant 1 : i32
      %dma_wait3A_86 = arith.constant 0 : i32
      %dma_wait3A_87 = arith.constant 0 : i32
      %dma_wait3A_88 = tpu.memref_slice %arg7[%dma_wait3A_85, %dma_wait3A_86, %dma_wait3A_87] : memref<2x100x128xf32, #tpu.memory_space<vmem>> -> memref<1x100x128xf32, #tpu.memory_space<vmem>>
      %dma_wait3A_89 = tpu.memref_squeeze %dma_wait3A_88 : memref<1x100x128xf32, #tpu.memory_space<vmem>> -> memref<100x128xf32, #tpu.memory_space<vmem>>
      %dma_wait3A_90 = arith.constant 0 : i32
      %dma_wait3A_91 = tpu.memref_slice %arg6[%dma_wait3A_83, %dma_wait3A_84, %dma_wait3A_90] : memref<2x2x100xi32, #tpu.memory_space<vmem>> -> memref<1x1x100xi32, #tpu.memory_space<vmem>>
      %dma_wait3A_92 = tpu.memref_squeeze %dma_wait3A_91 : memref<1x1x100xi32, #tpu.memory_space<vmem>> -> memref<100xi32, #tpu.memory_space<vmem>>
      %dma_wait3A_93 = arith.constant 0 : i32
      %dma_wait3A_94 = arith.constant 0 : i32
      %dma_wait3A_95 = tpu.memref_slice %arg2[%dma_wait3A_93, %dma_wait3A_94] : memref<10000x128xf32, #tpu.memory_space<hbm>> -> memref<10000x128xf32, #tpu.memory_space<hbm>>
      tpu.wait_indirect_dma semaphore(%arg10 : memref<!tpu.dma_semaphore, #tpu.memory_space<semaphore_mem>>) src(%dma_wait3A_95 : memref<10000x128xf32, #tpu.memory_space<hbm>>) dst(%dma_wait3A_89 : memref<100x128xf32, #tpu.memory_space<vmem>>)
      %add3A_96 = arith.constant 1 : i32
      %add3A_97 = arith.addi %add3A_82, %add3A_96 : i32
      %lt3A_98 = arith.constant 100 : i32
      %lt3A_99 = arith.cmpi slt, %add3A_97, %lt3A_98 : i32
      %convert_element_type3A_100 = arith.extui %lt3A_99 : i1 to i32
      %cond3A_101 = arith.constant 0 : i32
      %cond3A_102 = arith.cmpi ne, %convert_element_type3A_100, %cond3A_101 : i32
      scf.if %cond3A_102 {
        %add3A_113 = arith.constant 1 : i32
        %add3A_114 = arith.addi %add3A_82, %add3A_113 : i32
        %dma_wait3A_115 = arith.constant 0 : i32
        %dma_wait3A_116 = arith.constant 0 : i32
        %dma_wait3A_117 = arith.constant 0 : i32
        %dma_wait3A_118 = tpu.memref_slice %arg6[%dma_wait3A_115, %dma_wait3A_116, %dma_wait3A_117] : memref<2x2x100xi32, #tpu.memory_space<vmem>> -> memref<1x2x100xi32, #tpu.memory_space<vmem>>
        %dma_wait3A_119 = tpu.memref_squeeze %dma_wait3A_118 : memref<1x2x100xi32, #tpu.memory_space<vmem>> -> memref<2x100xi32, #tpu.memory_space<vmem>>
        %dma_wait3A_120 = arith.constant 0 : i32
        %dma_wait3A_121 = arith.constant 0 : i32
        %dma_wait3A_122 = tpu.memref_slice %arg3[%add3A, %add3A_114, %dma_wait3A_120, %dma_wait3A_121] : memref<32x100x2x100xi32, #tpu.memory_space<hbm>> -> memref<1x1x2x100xi32, #tpu.memory_space<hbm>>
        %dma_wait3A_123 = tpu.memref_squeeze %dma_wait3A_122 : memref<1x1x2x100xi32, #tpu.memory_space<hbm>> -> memref<2x100xi32, #tpu.memory_space<hbm>>
        %dma_wait3A_124 = arith.constant 0 : i32
        %dma_wait3A_125 = arith.constant 0 : i32
        %dma_wait3A_126 = tpu.memref_slice %arg6[%dma_wait3A_115, %dma_wait3A_124, %dma_wait3A_125] : memref<2x2x100xi32, #tpu.memory_space<vmem>> -> memref<1x2x100xi32, #tpu.memory_space<vmem>>
        %dma_wait3A_127 = tpu.memref_squeeze %dma_wait3A_126 : memref<1x2x100xi32, #tpu.memory_space<vmem>> -> memref<2x100xi32, #tpu.memory_space<vmem>>
        %dma_wait3A_128 = arith.constant 0 : i32
        %dma_wait3A_129 = arith.constant 0 : i32
        %dma_wait3A_130 = tpu.memref_slice %arg3[%add3A, %add3A_114, %dma_wait3A_128, %dma_wait3A_129] : memref<32x100x2x100xi32, #tpu.memory_space<hbm>> -> memref<1x1x2x100xi32, #tpu.memory_space<hbm>>
        %dma_wait3A_131 = tpu.memref_squeeze %dma_wait3A_130 : memref<1x1x2x100xi32, #tpu.memory_space<hbm>> -> memref<2x100xi32, #tpu.memory_space<hbm>>
        tpu.wait_dma2 semaphore(%arg9 : memref<!tpu.dma_semaphore, #tpu.memory_space<semaphore_mem>>) src(%dma_wait3A_131 : memref<2x100xi32, #tpu.memory_space<hbm>>) dst(%dma_wait3A_127 : memref<2x100xi32, #tpu.memory_space<vmem>>)
        %dma_start3A_132 = arith.constant 0 : i32
        %dma_start3A_133 = arith.constant 0 : i32
        %dma_start3A_134 = arith.constant 0 : i32
        %dma_start3A_135 = arith.constant 0 : i32
        %dma_start3A_136 = arith.constant 0 : i32
        %dma_start3A_137 = tpu.memref_slice %arg7[%dma_start3A_134, %dma_start3A_135, %dma_start3A_136] : memref<2x100x128xf32, #tpu.memory_space<vmem>> -> memref<1x100x128xf32, #tpu.memory_space<vmem>>
        %dma_start3A_138 = tpu.memref_squeeze %dma_start3A_137 : memref<1x100x128xf32, #tpu.memory_space<vmem>> -> memref<100x128xf32, #tpu.memory_space<vmem>>
        %dma_start3A_139 = arith.constant 0 : i32
        %dma_start3A_140 = tpu.memref_slice %arg6[%dma_start3A_132, %dma_start3A_133, %dma_start3A_139] : memref<2x2x100xi32, #tpu.memory_space<vmem>> -> memref<1x1x100xi32, #tpu.memory_space<vmem>>
        %dma_start3A_141 = tpu.memref_squeeze %dma_start3A_140 : memref<1x1x100xi32, #tpu.memory_space<vmem>> -> memref<100xi32, #tpu.memory_space<vmem>>
        %dma_start3A_142 = arith.constant 0 : i32
        %dma_start3A_143 = arith.constant 0 : i32
        %dma_start3A_144 = tpu.memref_slice %arg2[%dma_start3A_142, %dma_start3A_143] : memref<10000x128xf32, #tpu.memory_space<hbm>> -> memref<10000x128xf32, #tpu.memory_space<hbm>>
        tpu.enqueue_indirect_dma source(%dma_start3A_144 : memref<10000x128xf32, #tpu.memory_space<hbm>>) target(%dma_start3A_138 : memref<100x128xf32, #tpu.memory_space<vmem>>) offsets(%dma_start3A_141 : memref<100xi32, #tpu.memory_space<vmem>>) semaphore(%arg10 : memref<!tpu.dma_semaphore, #tpu.memory_space<semaphore_mem>>)
      } else {
      }
      %run_scoped3A_103 = arith.constant 1 : i32
      %run_scoped3A_104 = arith.constant 1 : i32
      %run_scoped3A_105 = arith.constant 1 : i32
      "tpu.region"() ({
        %run_scoped3A_113 = tpu.sem_alloc : memref<!tpu.dma_semaphore, #tpu.memory_space<semaphore_mem>>
        %dma_start3A_114 = arith.constant 0 : i32
        %dma_start3A_115 = arith.constant 0 : i32
        %dma_start3A_116 = tpu.memref_slice %arg7[%run_scoped3A_103, %dma_start3A_114, %dma_start3A_115] : memref<2x100x128xf32, #tpu.memory_space<vmem>> -> memref<1x100x128xf32, #tpu.memory_space<vmem>>
        %dma_start3A_117 = tpu.memref_squeeze %dma_start3A_116 : memref<1x100x128xf32, #tpu.memory_space<vmem>> -> memref<100x128xf32, #tpu.memory_space<vmem>>
        %dma_start3A_118 = arith.constant 0 : i32
        %dma_start3A_119 = tpu.memref_slice %arg6[%run_scoped3A_104, %run_scoped3A_105, %dma_start3A_118] : memref<2x2x100xi32, #tpu.memory_space<vmem>> -> memref<1x1x100xi32, #tpu.memory_space<vmem>>
        %dma_start3A_120 = tpu.memref_squeeze %dma_start3A_119 : memref<1x1x100xi32, #tpu.memory_space<vmem>> -> memref<100xi32, #tpu.memory_space<vmem>>
        %dma_start3A_121 = arith.constant 0 : i32
        %dma_start3A_122 = arith.constant 0 : i32
        %dma_start3A_123 = tpu.memref_slice %arg8[%dma_start3A_121, %dma_start3A_122] : memref<10000x128xf32, #tpu.memory_space<vmem_shared>> -> memref<10000x128xf32, #tpu.memory_space<vmem_shared>>
        tpu.enqueue_indirect_dma source(%dma_start3A_117 : memref<100x128xf32, #tpu.memory_space<vmem>>) target(%dma_start3A_123 : memref<10000x128xf32, #tpu.memory_space<vmem_shared>>) offsets(%dma_start3A_120 : memref<100xi32, #tpu.memory_space<vmem>>) semaphore(%run_scoped3A_113 : memref<!tpu.dma_semaphore, #tpu.memory_space<semaphore_mem>>) {add = true}
        %dma_wait3A_124 = arith.constant 0 : i32
        %dma_wait3A_125 = arith.constant 0 : i32
        %dma_wait3A_126 = tpu.memref_slice %arg7[%run_scoped3A_103, %dma_wait3A_124, %dma_wait3A_125] : memref<2x100x128xf32, #tpu.memory_space<vmem>> -> memref<1x100x128xf32, #tpu.memory_space<vmem>>
        %dma_wait3A_127 = tpu.memref_squeeze %dma_wait3A_126 : memref<1x100x128xf32, #tpu.memory_space<vmem>> -> memref<100x128xf32, #tpu.memory_space<vmem>>
        %dma_wait3A_128 = arith.constant 0 : i32
        %dma_wait3A_129 = tpu.memref_slice %arg6[%run_scoped3A_104, %run_scoped3A_105, %dma_wait3A_128] : memref<2x2x100xi32, #tpu.memory_space<vmem>> -> memref<1x1x100xi32, #tpu.memory_space<vmem>>
        %dma_wait3A_130 = tpu.memref_squeeze %dma_wait3A_129 : memref<1x1x100xi32, #tpu.memory_space<vmem>> -> memref<100xi32, #tpu.memory_space<vmem>>
        %dma_wait3A_131 = arith.constant 0 : i32
        %dma_wait3A_132 = arith.constant 0 : i32
        %dma_wait3A_133 = tpu.memref_slice %arg8[%dma_wait3A_131, %dma_wait3A_132] : memref<10000x128xf32, #tpu.memory_space<vmem_shared>> -> memref<10000x128xf32, #tpu.memory_space<vmem_shared>>
        tpu.wait_indirect_dma semaphore(%run_scoped3A_113 : memref<!tpu.dma_semaphore, #tpu.memory_space<semaphore_mem>>) src(%dma_wait3A_127 : memref<100x128xf32, #tpu.memory_space<vmem>>) dst(%dma_wait3A_133 : memref<10000x128xf32, #tpu.memory_space<vmem_shared>>)
        tpu.yield
      }) : () -> ()
      %add3A_106 = arith.constant 2 : i32
      %add3A_107 = arith.addi %add3A_82, %add3A_106 : i32
      %lt3A_108 = arith.constant 100 : i32
      %lt3A_109 = arith.cmpi slt, %add3A_107, %lt3A_108 : i32
      %convert_element_type3A_110 = arith.extui %lt3A_109 : i1 to i32
      %cond3A_111 = arith.constant 0 : i32
      %cond3A_112 = arith.cmpi ne, %convert_element_type3A_110, %cond3A_111 : i32
      scf.if %cond3A_112 {
        %add3A_113 = arith.constant 2 : i32
        %add3A_114 = arith.addi %add3A_82, %add3A_113 : i32
        %dma_start3A_115 = arith.constant 1 : i32
        %dma_start3A_116 = arith.constant 0 : i32
        %dma_start3A_117 = arith.constant 0 : i32
        %dma_start3A_118 = tpu.memref_slice %arg6[%dma_start3A_115, %dma_start3A_116, %dma_start3A_117] : memref<2x2x100xi32, #tpu.memory_space<vmem>> -> memref<1x2x100xi32, #tpu.memory_space<vmem>>
        %dma_start3A_119 = tpu.memref_squeeze %dma_start3A_118 : memref<1x2x100xi32, #tpu.memory_space<vmem>> -> memref<2x100xi32, #tpu.memory_space<vmem>>
        %dma_start3A_120 = arith.constant 0 : i32
        %dma_start3A_121 = arith.constant 0 : i32
        %dma_start3A_122 = tpu.memref_slice %arg3[%add3A, %add3A_114, %dma_start3A_120, %dma_start3A_121] : memref<32x100x2x100xi32, #tpu.memory_space<hbm>> -> memref<1x1x2x100xi32, #tpu.memory_space<hbm>>
        %dma_start3A_123 = tpu.memref_squeeze %dma_start3A_122 : memref<1x1x2x100xi32, #tpu.memory_space<hbm>> -> memref<2x100xi32, #tpu.memory_space<hbm>>
        %dma_start3A_124 = arith.constant 0 : i32
        %dma_start3A_125 = arith.constant 0 : i32
        %dma_start3A_126 = tpu.memref_slice %arg6[%dma_start3A_115, %dma_start3A_124, %dma_start3A_125] : memref<2x2x100xi32, #tpu.memory_space<vmem>> -> memref<1x2x100xi32, #tpu.memory_space<vmem>>
        %dma_start3A_127 = tpu.memref_squeeze %dma_start3A_126 : memref<1x2x100xi32, #tpu.memory_space<vmem>> -> memref<2x100xi32, #tpu.memory_space<vmem>>
        %dma_start3A_128 = arith.constant 0 : i32
        %dma_start3A_129 = arith.constant 0 : i32
        %dma_start3A_130 = tpu.memref_slice %arg3[%add3A, %add3A_114, %dma_start3A_128, %dma_start3A_129] : memref<32x100x2x100xi32, #tpu.memory_space<hbm>> -> memref<1x1x2x100xi32, #tpu.memory_space<hbm>>
        %dma_start3A_131 = tpu.memref_squeeze %dma_start3A_130 : memref<1x1x2x100xi32, #tpu.memory_space<hbm>> -> memref<2x100xi32, #tpu.memory_space<hbm>>
        tpu.enqueue_dma source(%dma_start3A_131 : memref<2x100xi32, #tpu.memory_space<hbm>>) target(%dma_start3A_127 : memref<2x100xi32, #tpu.memory_space<vmem>>) target_semaphore(%arg9 : memref<!tpu.dma_semaphore, #tpu.memory_space<semaphore_mem>>)
      } else {
      }
    }
    %scan3A_39 = arith.constant 50 : i32
    %barrier3A_40 = arith.constant 0 : index
    tpu.barrier barrier_id(%barrier3A_40)
    "tpu.region"() ({
      %run_scoped3A_46 = tpu.sem_alloc : memref<!tpu.dma_semaphore, #tpu.memory_space<semaphore_mem>>
      %dma_start3A_47 = arith.constant 0 : i32
      %dma_start3A_48 = tpu.memref_slice %arg5[%arg0, %mul3A_2, %dma_start3A_47] : memref<2x10000x128xf32, #tpu.memory_space<hbm>> -> memref<1x624x128xf32, #tpu.memory_space<hbm>>
      %dma_start3A_49 = tpu.memref_squeeze %dma_start3A_48 : memref<1x624x128xf32, #tpu.memory_space<hbm>> -> memref<624x128xf32, #tpu.memory_space<hbm>>
      %dma_start3A_50 = arith.constant 0 : i32
      %dma_start3A_51 = tpu.memref_slice %arg8[%mul3A_2, %dma_start3A_50] : memref<10000x128xf32, #tpu.memory_space<vmem_shared>> -> memref<624x128xf32, #tpu.memory_space<vmem_shared>>
      tpu.enqueue_dma source(%dma_start3A_51 : memref<624x128xf32, #tpu.memory_space<vmem_shared>>) target(%dma_start3A_49 : memref<624x128xf32, #tpu.memory_space<hbm>>) target_semaphore(%run_scoped3A_46 : memref<!tpu.dma_semaphore, #tpu.memory_space<semaphore_mem>>)
      %dma_wait3A = arith.constant 0 : i32
      %dma_wait3A_52 = tpu.memref_slice %arg5[%arg0, %mul3A_2, %dma_wait3A] : memref<2x10000x128xf32, #tpu.memory_space<hbm>> -> memref<1x624x128xf32, #tpu.memory_space<hbm>>
      %dma_wait3A_53 = tpu.memref_squeeze %dma_wait3A_52 : memref<1x624x128xf32, #tpu.memory_space<hbm>> -> memref<624x128xf32, #tpu.memory_space<hbm>>
      %dma_wait3A_54 = arith.constant 0 : i32
      %dma_wait3A_55 = tpu.memref_slice %arg8[%mul3A_2, %dma_wait3A_54] : memref<10000x128xf32, #tpu.memory_space<vmem_shared>> -> memref<624x128xf32, #tpu.memory_space<vmem_shared>>
      tpu.wait_dma2 semaphore(%run_scoped3A_46 : memref<!tpu.dma_semaphore, #tpu.memory_space<semaphore_mem>>) src(%dma_wait3A_55 : memref<624x128xf32, #tpu.memory_space<vmem_shared>>) dst(%dma_wait3A_53 : memref<624x128xf32, #tpu.memory_space<hbm>>)
      tpu.yield
    }) : () -> ()
    %eq3A_41 = arith.constant 15 : i32
    %eq3A_42 = arith.cmpi eq, %arg1, %eq3A_41 : i32
    %convert_element_type3A_43 = arith.extui %eq3A_42 : i1 to i32
    %cond3A_44 = arith.constant 0 : i32
    %cond3A_45 = arith.cmpi ne, %convert_element_type3A_43, %cond3A_44 : i32
    scf.if %cond3A_45 {
      "tpu.region"() ({
        %run_scoped3A_46 = tpu.sem_alloc : memref<!tpu.dma_semaphore, #tpu.memory_space<semaphore_mem>>
        %dma_start3A_47 = arith.constant 9984 : i32
        %dma_start3A_48 = arith.constant 0 : i32
        %dma_start3A_49 = tpu.memref_slice %arg5[%arg0, %dma_start3A_47, %dma_start3A_48] : memref<2x10000x128xf32, #tpu.memory_space<hbm>> -> memref<1x16x128xf32, #tpu.memory_space<hbm>>
        %dma_start3A_50 = tpu.memref_squeeze %dma_start3A_49 : memref<1x16x128xf32, #tpu.memory_space<hbm>> -> memref<16x128xf32, #tpu.memory_space<hbm>>
        %dma_start3A_51 = arith.constant 9984 : i32
        %dma_start3A_52 = arith.constant 0 : i32
        %dma_start3A_53 = tpu.memref_slice %arg8[%dma_start3A_51, %dma_start3A_52] : memref<10000x128xf32, #tpu.memory_space<vmem_shared>> -> memref<16x128xf32, #tpu.memory_space<vmem_shared>>
        tpu.enqueue_dma source(%dma_start3A_53 : memref<16x128xf32, #tpu.memory_space<vmem_shared>>) target(%dma_start3A_50 : memref<16x128xf32, #tpu.memory_space<hbm>>) target_semaphore(%run_scoped3A_46 : memref<!tpu.dma_semaphore, #tpu.memory_space<semaphore_mem>>)
        %dma_wait3A = arith.constant 9984 : i32
        %dma_wait3A_54 = arith.constant 0 : i32
        %dma_wait3A_55 = tpu.memref_slice %arg5[%arg0, %dma_wait3A, %dma_wait3A_54] : memref<2x10000x128xf32, #tpu.memory_space<hbm>> -> memref<1x16x128xf32, #tpu.memory_space<hbm>>
        %dma_wait3A_56 = tpu.memref_squeeze %dma_wait3A_55 : memref<1x16x128xf32, #tpu.memory_space<hbm>> -> memref<16x128xf32, #tpu.memory_space<hbm>>
        %dma_wait3A_57 = arith.constant 9984 : i32
        %dma_wait3A_58 = arith.constant 0 : i32
        %dma_wait3A_59 = tpu.memref_slice %arg8[%dma_wait3A_57, %dma_wait3A_58] : memref<10000x128xf32, #tpu.memory_space<vmem_shared>> -> memref<16x128xf32, #tpu.memory_space<vmem_shared>>
        tpu.wait_dma2 semaphore(%run_scoped3A_46 : memref<!tpu.dma_semaphore, #tpu.memory_space<semaphore_mem>>) src(%dma_wait3A_59 : memref<16x128xf32, #tpu.memory_space<vmem_shared>>) dst(%dma_wait3A_56 : memref<16x128xf32, #tpu.memory_space<hbm>>)
        tpu.yield
      }) : () -> ()
    } else {
    }
    return
  }
}

module attributes {stable_mosaic.version = 14 : i64} {
  func.func @_linear_body(%arg0: i32, %arg1: memref<1000x128xf32, #tpu.memory_space<vmem>>, %arg2: memref<2x1000x128xf32, #tpu.memory_space<vmem>>, %arg3: memref<128x128xf32, #tpu.memory_space<vmem>>, %arg4: memref<1x128xf32, #tpu.memory_space<vmem>>, %arg5: memref<1000x128xf32, #tpu.memory_space<vmem>>) attributes {dimension_semantics = [#tpu.dimension_semantics<arbitrary>], iteration_bounds = array<i64: 10>, scalar_prefetch = 0 : i64, scratch_operands = 0 : i64, tpu.core_type = #tpu.core_type<tc>, window_params = [{transform_indices = @transform_0, window_bounds = array<i64: 1000, 128>}, {transform_indices = @transform_1, window_bounds = array<i64: 2, 1000, 128>}, {pipeline_mode = #tpu.pipeline_mode<synchronous>, transform_indices = @transform_2, window_bounds = array<i64: 128, 128>}, {pipeline_mode = #tpu.pipeline_mode<synchronous>, transform_indices = @transform_3, window_bounds = array<i64: 1, 128>}, {transform_indices = @transform_4, window_bounds = array<i64: 1000, 128>}]} {
    %get3A = arith.constant 0 : index
    %get3A_0 = arith.constant 0 : index
    %get3A_1 = vector.load %arg1[%get3A, %get3A_0] : memref<1000x128xf32, #tpu.memory_space<vmem>>, vector<1000x128xf32>
    %get3A_2 = arith.constant 0 : index
    %get3A_3 = arith.constant 0 : index
    %get3A_4 = arith.constant 0 : index
    %get3A_5 = vector.load %arg2[%get3A_2, %get3A_3, %get3A_4] : memref<2x1000x128xf32, #tpu.memory_space<vmem>>, vector<1x1000x128xf32>
    %get3A_6 = vector.shape_cast %get3A_5 : vector<1x1000x128xf32> to vector<1000x128xf32>
    %add3A = arith.addf %get3A_1, %get3A_6 : vector<1000x128xf32>
    %get3A_7 = arith.constant 1 : index
    %get3A_8 = arith.constant 0 : index
    %get3A_9 = arith.constant 0 : index
    %get3A_10 = vector.load %arg2[%get3A_7, %get3A_8, %get3A_9] : memref<2x1000x128xf32, #tpu.memory_space<vmem>>, vector<1x1000x128xf32>
    %get3A_11 = vector.shape_cast %get3A_10 : vector<1x1000x128xf32> to vector<1000x128xf32>
    %add3A_12 = arith.addf %add3A, %get3A_11 : vector<1000x128xf32>
    %get3A_13 = arith.constant 0 : index
    %get3A_14 = arith.constant 0 : index
    %get3A_15 = vector.load %arg3[%get3A_13, %get3A_14] : memref<128x128xf32, #tpu.memory_space<vmem>>, vector<128x128xf32>
    %dot_general3A = arith.constant dense<0.000000e+00> : vector<1000x128xf32>
    %dot_general3A_16 = tpu.matmul %add3A_12, %get3A_15, %dot_general3A {dimension_numbers = #tpu.dot_dimension_numbers<[1], [1], [0], [0], [0, 0, 1, 0], [], []>, transpose_lhs_hint = false} : vector<1000x128xf32>, vector<128x128xf32>, vector<1000x128xf32> -> vector<1000x128xf32>
    %get3A_17 = arith.constant 0 : index
    %get3A_18 = arith.constant 0 : index
    %get3A_19 = vector.load %arg4[%get3A_17, %get3A_18] : memref<1x128xf32, #tpu.memory_space<vmem>>, vector<1x128xf32>
    %add3A_20 = vector.broadcast %get3A_19 : vector<1x128xf32> to vector<1000x128xf32>
    %add3A_21 = arith.addf %dot_general3A_16, %add3A_20 : vector<1000x128xf32>
    %swap3A = arith.constant 0 : index
    %swap3A_22 = arith.constant 0 : index
    %swap3A_23 = vector.load %arg5[%swap3A, %swap3A_22] : memref<1000x128xf32, #tpu.memory_space<vmem>>, vector<1000x128xf32>
    tpu.vector_store %arg5[%swap3A, %swap3A_22], %add3A_21 {strides = array<i32>} : memref<1000x128xf32, #tpu.memory_space<vmem>>, vector<1000x128xf32>,
    return
  }
  func.func @transform_0(%arg0: i32) -> (i32, i32) {
    %c0_i32 = arith.constant 0 : i32
    %c0_i32_0 = arith.constant 0 : i32
    return %arg0, %c0_i32 : i32, i32
  }
  func.func @transform_1(%arg0: i32) -> (i32, i32, i32) {
    %c0_i32 = arith.constant 0 : i32
    %c0_i32_0 = arith.constant 0 : i32
    %c0_i32_1 = arith.constant 0 : i32
    return %c0_i32, %arg0, %c0_i32_0 : i32, i32, i32
  }
  func.func @transform_2(%arg0: i32) -> (i32, i32) {
    %c0_i32 = arith.constant 0 : i32
    %c0_i32_0 = arith.constant 0 : i32
    %c0_i32_1 = arith.constant 0 : i32
    return %c0_i32, %c0_i32_0 : i32, i32
  }
  func.func @transform_3(%arg0: i32) -> (i32, i32) {
    %c0_i32 = arith.constant 0 : i32
    %c0_i32_0 = arith.constant 0 : i32
    %c0_i32_1 = arith.constant 0 : i32
    return %c0_i32, %c0_i32_0 : i32, i32
  }
  func.func @transform_4(%arg0: i32) -> (i32, i32) {
    %c0_i32 = arith.constant 0 : i32
    %c0_i32_0 = arith.constant 0 : i32
    return %arg0, %c0_i32 : i32, i32
  }
}

</mosaic_0001>

<sc_bundles>
// kernel: kernel.4.cloned.1.call-start
scs
__scs_entry_jumppad:
0x0: {  	(pc) =	sbr.rel $0x88, $3  }
0x1: {  	(tag) =	ssettag $0x0;
	lr =	simm.s32 $0x1  }
0x2: {  	[smem:$0x3F9D] =	sst lr;
	_ =	strace $0xD0000000  }
0x3: {  	_ = 	snop  }
0x4: {  	_ = 	snop  }
0x5: {  	_ = 	snop  }
0x6: {  	_ = 	snop  }
0x7: {  	_ = 	snop  }
__scs_overlays_trampoline_lowered:
0x8: {  	[smem:$0x3FAC] =	sst s0  }
0x9: {  	[smem:$0x3FAD] =	sst s1  }
0xa: {  	[smem:$0x3FAE] =	sst s2  }
0xb: {  	[smem:$0x3FAF] =	sst s3  }
0xc: {  	[smem:$0x3FB0] =	sst s4  }
0xd: {  	[smem:$0x3FB1] =	sst s5  }
0xe: {  	[smem:$0x3FB2] =	sst s6  }
0xf: {  	[smem:$0x3FB3] =	sst s7  }
0x10: {  	[smem:$0x3FB4] =	sst s8  }
0x11: {  	[smem:$0x3FB5] =	sst s9;
	s0 =	simm.s32 @!p0 $0x0  }
0x12: {  	s1 =	sld [smem:$0x3F9B];
	s0 =	simm.s32 @p0 $0x1  }
0x13: {  	[smem:$0x3FB6] =	sst s0;
	s0 =	simm.s32 @!p1 $0x0  }
0x14: {  	s2 =	sld [smem:$0x3F9A];
	s0 =	simm.s32 @p1 $0x1  }
0x15: {  	[smem:$0x3FB7] =	sst s0;
	s0 =	simm.s32 @!p2 $0x0  }
0x16: {  	s3 =	sld [smem:$0x3FDB];
	s0 =	simm.s32 @p2 $0x1  }
0x17: {  	s4 =	simm.s32 $0x1BF5;
	[smem:$0x3FB9] =	sst s0  }
0x18: {  	s0 =	sld [smem:$0x3F9C];
	_ =	swait.ge [sflag:s4], $0x0  }
0x19: {  	s7 =	sld [smem:$0x3F9D]  }
0x1a: {  	s8 =	sadd.s32 $0xFFFFE003, lr  }
0x1b: {  	s9 =	sadd.s32 $0xFFFFFEF7, lr;
	s5 =	simm.s32 $0xFFFFFFFF;
	p2 =	slt.u32 s8, $0xFFFFF086  }
0x1c: {  	p1 =	slt.u32 s9, $0xF7A;
	s5 =	simm.s32 @!p2 $0x0  }
0x1d: {  	s5 =	simm.s32 @p1 $0x1;
	p0 =	seq.s32 s7, s2  }
0x1e: {  	s7 =	smul.u32 @!p0 $0xF7A, s2;
	p2 =	seq.s32 @!p0 s5, $0x0  }
0x1f: {  	s9 =	smul.u32 $0xF7A, s1;
	s8 =	simm.s32 @!p0 $0x1BF5;
	p2 =	por !p2, p0  }
0x20: {  	[sflag:s8] =	ssyncset.s32 @!p0 $0xFFFFF086;
	s6 =	sadd.s32 @!p0 s3, s7;
	s7 =	simm.s32 @!p0 $0x108  }
0x21: {  	s3 =	sadd.s32 s3, s9;
	s6 =	sadd.s32 @!p0 $0x88, s6;
	s7 =	simm.s32 @p2 $0x1082  }
0x22: {  	[simem:s7], [sflag:s8] =	dma.local @!p0 [hbm:s6], $0xF7A  }
0x23: {  	s9 =	sor.u32 $0xD0000000, s2;
	s6 =	simm.s32 $0x108;
	_ =	swait.ge @!p0 [sflag:s8], $0x0  }
0x24: {  	s3 =	sadd.s32 $0x88, s3;
	s6 =	simm.s32 @!p1 $0x1082;
	[sflag:s4] =	ssyncset.s32 $0xFFFFF086  }
0x25: {  	[simem:s6], [sflag:s4] =	dma.local [hbm:s3], $0xF7A  }
0x26: {  	[smem:$0x3F9D] =	sst s1;
	(tag) =	ssettag s2;
	_ =	strace s9  }
0x27: {  	s1 =	sld [smem:$0x3FAD]  }
0x28: {  	s2 =	sld [smem:$0x3FAE]  }
0x29: {  	s4 =	sld [smem:$0x3FB0]  }
0x2a: {  	p0 =	seq.s32 s5, $0x0;
	s5 =	sld [smem:$0x3FB1]  }
0x2b: {  	s6 =	sld [smem:$0x3FB2]  }
0x2c: {  	s7 =	sld [smem:$0x3FB3]  }
0x2d: {  	s3 =	simm.s32 $0x108;
	s8 =	sld [smem:$0x3FB4]  }
0x2e: {  	s3 =	simm.s32 @!p0 $0x1082;
	s9 =	sld [smem:$0x3FB5]  }
0x2f: {  	lr =	sadd.s32 s0, s3;
	s0 =	sld [smem:$0x3FAC]  }
0x30: {  	s3 =	sld [smem:$0x3FAF]  }
0x31: {  	[smem:$0x3FB8] =	sst s10  }
0x32: {  	s10 =	sld [smem:$0x3FB6];
	_ =	sdelay $0x3  }
0x33: {  	p0 =	seq.s32 s10, $0x1;
	s10 =	sld [smem:$0x3FB8];
	_ =	sdelay $0x3  }
0x34: {  	[smem:$0x3FB8] =	sst s10  }
0x35: {  	s10 =	sld [smem:$0x3FB7];
	_ =	sdelay $0x3  }
0x36: {  	p1 =	seq.s32 s10, $0x1;
	s10 =	sld [smem:$0x3FB8];
	_ =	sdelay $0x3  }
0x37: {  	[smem:$0x3FB8] =	sst s10  }
0x38: {  	s10 =	sld [smem:$0x3FB9]  }
0x39: {  	_ = 	snop;
	(pc) =	sbr.ind lr, $3  }
0x3a: {  	_ = 	snop  }
0x3b: {  	_ = 	snop  }
0x3c: {  	p2 =	seq.s32 s10, $0x1;
	s10 =	sld [smem:$0x3FB8]  }
0x3d: {  	_ =	shalt  }
0x3e: {  	_ =	shalt  }
0x3f: {  	_ =	shalt  }
0x40: {  	_ =	shalt  }
0x41: {  	_ =	shalt  }
0x42: {  	_ =	shalt  }
0x43: {  	_ =	shalt  }
0x44: {  	_ =	shalt  }
0x45: {  	_ =	shalt  }
0x46: {  	_ =	shalt  }
0x47: {  	_ =	shalt  }
0x48: {  	_ =	shalt  }
0x49: {  	_ =	shalt  }
0x4a: {  	_ =	shalt  }
0x4b: {  	_ =	shalt  }
0x4c: {  	_ =	shalt  }
0x4d: {  	_ =	shalt  }
0x4e: {  	_ =	shalt  }
0x4f: {  	_ =	shalt  }
0x50: {  	_ =	shalt  }
0x51: {  	_ =	shalt  }
0x52: {  	_ =	shalt  }
0x53: {  	_ =	shalt  }
0x54: {  	_ =	shalt  }
0x55: {  	_ =	shalt  }
0x56: {  	_ =	shalt  }
0x57: {  	_ =	shalt  }
0x58: {  	_ =	shalt  }
0x59: {  	_ =	shalt  }
0x5a: {  	_ =	shalt  }
0x5b: {  	_ =	shalt  }
0x5c: {  	_ =	shalt  }
0x5d: {  	_ =	shalt  }
0x5e: {  	_ =	shalt  }
0x5f: {  	_ =	shalt  }
0x60: {  	_ =	shalt  }
0x61: {  	_ =	shalt  }
0x62: {  	_ =	shalt  }
0x63: {  	_ =	shalt  }
0x64: {  	_ =	shalt  }
0x65: {  	_ =	shalt  }
0x66: {  	_ =	shalt  }
0x67: {  	_ =	shalt  }
0x68: {  	_ =	shalt  }
0x69: {  	_ =	shalt  }
0x6a: {  	_ =	shalt  }
0x6b: {  	_ =	shalt  }
0x6c: {  	_ =	shalt  }
0x6d: {  	_ =	shalt  }
0x6e: {  	_ =	shalt  }
0x6f: {  	_ =	shalt  }
0x70: {  	_ =	shalt  }
0x71: {  	_ =	shalt  }
0x72: {  	_ =	shalt  }
0x73: {  	_ =	shalt  }
0x74: {  	_ =	shalt  }
0x75: {  	_ =	shalt  }
0x76: {  	_ =	shalt  }
0x77: {  	_ =	shalt  }
0x78: {  	_ =	shalt  }
0x79: {  	_ =	shalt  }
0x7a: {  	_ =	shalt  }
0x7b: {  	_ =	shalt  }
0x7c: {  	_ =	shalt  }
0x7d: {  	_ =	shalt  }
0x7e: {  	_ =	shalt  }
0x7f: {  	_ =	shalt  }
0x80: {  	_ =	shalt  }
0x81: {  	_ =	shalt  }
0x82: {  	_ =	shalt  }
0x83: {  	_ =	shalt  }
0x84: {  	_ =	shalt  }
0x85: {  	_ =	shalt  }
0x86: {  	_ =	shalt  }
0x87: {  	_ =	shalt  }
.Lfunc_end0:
.L_simem_size_0:
called_computation_lowered:
.L_overlay_start_0:
0x88: {  	s2 =	sld [smem:$0x3FD9]  }
0x89: {  	s3 =	sld [smem:$0x3FFE];
	_ =	sdelay $0x1  }
0x8a: {  	s1 =	srdreg.scid  }
0x8b: {  	s0 =	sand.u32 $0x1, s1  }
0x8c: {  	s17 =	sshll.u32 s0, $0xA;
	s2 =	sadd.s32 s3, s2  }
0x8d: {  	s2 =	sadd.s32 s2, s17  }
0x8e: {  	[smem:$0x3FC4] =	sst s2  }
0x8f: {  	_ = 	snop  }
0x90: {  	s2 =	sld [smem:$0x3FC9]  }
0x91: {  	s18 =	sld [smem:$0x3FD0];
	(tm) =	ssettm $0x1  }
0x92: {  	s4 =	sld [smem:$0x3FFB];
	_ =	sdelay $0x3  }
0x93: {  	_ =	strace s4  }
0x94: {  	s4 =	sld [smem:$0x3FFC];
	_ =	sdelay $0x3  }
0x95: {  	_ =	strace s4  }
0x96: {  	s4 =	sld [smem:$0x3FFD];
	_ =	sdelay $0x3  }
0x97: {  	_ =	strace s4  }
0x98: {  	_ =	strace $0x8FFFFFFF  }
0x99: {  	s19 =	sld [smem:$0x3FDB];
	_ =	sdelay $0x1  }
0x9a: {  	s5 =	simm.s32 $_scs_section_size  }
0x9b: {  	s6 =	simm.s32 $_size__tile_overlayer_lowered;
	s7 =	simm.s32 $_tile_overlayer_lowered  }
0x9c: {  	s22 =	simm.s32 $0x1BFF;
	s21 =	sshll.u32 s7, $0x1;
	s4 =	sadd.s32 s5, s19  }
0x9d: {  	s8 =	simm.s32 $0x0;
	s20 =	sshll.u32 s6, $0x1;
	s6 =	sadd.s32 s21, s4  }
0x9e: {  	[timem:s8], [sflag:s22] =	dma.local [hbm:s6], s20  }
0x9f: {  	_ =	swait.ge [sflag:s22], s20  }
0xa0: {  	s5 =	ssub.s32 $0x0, s20;
	[sflag:s22] =	ssyncset.done $0x0  }
0xa1: {  	[sflag:s22] =	ssyncadd.s32 s5;
	_ =	sdelay $0x1  }
0xa2: {  	s23 =	simm.s32 $0x1B8B  }
0xa3: {  	_ =	swait.ge [sflag:s23], $0x1  }
0xa4: {  	[sflag:s23] =	ssyncset.done $0x0  }
0xa5: {  	s25 =	simm.s32 $0x1B8E;
	s24 =	sld [smem:$0x3FFE];
	[sflag:s23] =	ssyncadd.s32 $0xFFFFFFFF  }
0xa6: {  	s26 =	simm.s32 $execute0_lowered;
	[smem:$0x3FD2] =	sst s25  }
0xa7: {  	s6 =	sshll.u32 s26, $0x1;
	_ =	strace $0x80000046;
	[dreg:$0x1] =	wrdreg $0xFFFFFFFF  }
0xa8: {  	s28 =	simm.s32 $_size_execute0_lowered;
	s4 =	sadd.s32 s4, s6;
	[dreg:$0x0] =	wrdreg $0x0  }
0xa9: {  	s6 =	sshll.u32 s28, $0x1;
	[dreg:$0x2] =	wrdreg s4  }
0xaa: {  	[dreg:$0x3] =	wrdreg s6  }
0xab: {  	[dreg:$0x4] =	wrdreg $0xC0  }
0xac: {  	_ =	task [dreg:s8], $0x5FFFF  }
0xad: {  	[dreg:$0x1] =	wrdreg $0xFFFFFFFF  }
0xae: {  	[dreg:$0x0] =	wrdreg $0x60  }
0xaf: {  	[dreg:$0x2] =	wrdreg s2  }
0xb0: {  	[dreg:$0x3] =	wrdreg s24  }
0xb1: {  	[dreg:$0x4] =	wrdreg s18  }
0xb2: {  	[dreg:$0x5] =	wrdreg $0x6A000  }
0xb3: {  	[dreg:$0x6] =	wrdreg $0x9  }
0xb4: {  	_ =	task.clear_ibuf [dreg:s8], $0x7FFFF;
	_ =	strace $0x90000046  }
0xb5: {  	s29 =	simm.s32 $0x9;
	_ =	strace $0x80000048  }
0xb6: {  	_ =	swait.ge [sflag:s29], $0x1  }
0xb7: {  	[sflag:s29] =	ssyncadd.s32 $0xFFFFFFFF  }
0xb8: {  	_ =	strace $0x90000048  }
0xb9: {  	_ =	sfence  }
0xba: {  	s30 =	sld [smem:$0x0];
	_ =	sdelay $0x2  }
0xbb: {  	s31 =	sshll.u32 s1, $0xD;
	s1 =	sshrl.u32 s1, $0x2  }
0xbc: {  	s3 =	sand.u32 $0x4000, s31;
	s1 =	sadd.s32 s1, s30  }
0xbd: {  	s0 =	sor.u32 s3, s0;
	s1 =	sshll.u32 s1, $0x11  }
0xbe: {  	s0 =	sor.u32 s1, s0  }
0xbf: {  	s0 =	sadd.s32 $0x8F2B, s0  }
0xc0: {  	[sflag:s0] =	ssyncadd.remote.s32 $0x1  }
0xc1: {  	_ =	sfence.sel $0xFFFF  }
0xc2: {  	[dreg:$0x0] =	wrdreg $0xFFFFFFFF;
	(pc) =	sbr.abs _section_cstart, $3  }
0xc3: {  	[dreg:$0x1] =	wrdreg $0xFFFFFFFF  }
0xc4: {  	_ =	task.clear_ibuf [dreg:s8], $0x2FFFF;
	_ =	strace $0x9FFFFFFF  }
0xc5: {  	(tm) =	ssettm $0x7FFFFFFF  }
tec
execute0_lowered:
.L_overlay_start_1:
0x0: {  	(tag) =	ssettag $0x1  }
0x1: {  	s1 =	rddreg [dreg:$0x0]  }
0x2: {  	s5 =	rddreg [dreg:$0x1]  }
0x3: {  	s7 =	rddreg [dreg:$0x2]  }
0x4: {  	s2 =	rddreg [dreg:$0x3]  }
0x5: {  	s0 =	rddreg [dreg:$0x4]  }
0x6: {  	s4 =	simm.s32 $0x0;
	s6 =	srdreg.scid;
	s3 =	stileid.u32  }
0x7: {  	s19 =	simm.s32 $0x200;
	s20 =	simm.s32 $0x100;
	s21 =	simm.s32 $0x2  }
0x8: {  	s22 =	simm.s32 $0x1;
	[smem:$0x7FF] =	sst s4;
	s9 =	sand.u32 $0x1, s6  }
0x9: {  	s14 =	sadd.s32 $0xA00, s5;
	s8 =	smul.u32 $0x4E000, s3;
	s11 =	sadd.s32 $0x19A00, s5  }
0xa: {  	s10 =	smul.u32 $0x13800, s3;
	s24 =	sshll.u32 s3, $0x1;
	s29 =	sshll.u32 s3, $0x6  }
0xb: {  	s17 =	sadd.s32 $0x138000, s2;
	s16 =	smul.u32 $0xC800, s3;
	p0 =	sne.s32 s3, $0xF  }
0xc: {  	_ =	strace $0x80000047;
	s6 =	ssub.s32 $0x2, s9;
	s13 =	smul.u32 $0x138800, s9  }
0xd: {  	s26 =	sor.u32 s9, s24;
	s18 =	smul.u32 $0x6400, s9;
	s17 =	sshrl.u32 @!p0 s17, $0x3  }
0xe: {  	s24 =	simm.s32 $0x80;
	s23 =	sshrl.u32 s6, $0x1;
	s25 =	sshrl.u32 s8, $0x2  }
0xf: {  	s28 =	sshrl.u32 s10, $0x3;
	s8 =	smul.u32 $0x6400, s26;
	s26 =	simm.s32 $0x0  }
0x10: {  	s12 =	ssub.s32 s6, s23;
	s15 =	sadd.s32 s25, s2;
	s5 =	sadd.s32 s7, s28  }
0x11: {  	s6 =	sor.u32 $0x1C03, s29;
	s7 =	sadd.s32 $0x27000, s7;
	s10 =	sadd.s32 s10, s13  }
0x12: {  	s13 =	sshrl.u32 s13, $0x3;
	s30 =	sadd.s32 s18, s16;
	s18 =	simm.s32 $0x64  }
0x13: {  	s23 =	simm.s32 $0x3600;
	s25 =	simm.s32 $0x180;
	s8 =	sshrl.u32 s8, $0x3  }
0x14: {  	s10 =	sshrl.u32 s10, $0x3;
	s16 =	sor.u32 $0x300, s30;
	s12 =	smax.u32 s12, $0x1  }
0x15: {  	s15 =	sshrl.u32 s15, $0x3;
	s8 =	sadd.s32 s14, s8;
	s10 =	sadd.s32 s11, s10  }
0x16: {  	s11 =	sadd.s32 s11, s13;
	s13 =	sor.u32 $0x200, s30;
	s16 =	sshrl.u32 s16, $0x3  }
0x17: {  	s9 =	sadd.s32 $0x20, s8;
	s11 =	sadd.s32 $0x27000, s11;
	s31 =	sshrl.u32 s13, $0x3  }
0x18: {  	s13 =	sadd.s32 s16, s14;
	s16 =	simm.s32 $0x3;
	s14 =	sadd.s32 s31, s14  }
.LBB2_1:
0x19: {  	[spmem:s15], [sflag:s6] =	dma.local [hbm:s5], $0x2700  }
0x1a: {  	_ =	swait.ge [sflag:s16], $0x2700  }
0x1b: {  	[sflag:s16] =	ssyncset.done $0x0  }
0x1c: {  	s28 =	simm.s32 @!p0 $0x3;
	[sflag:s16] =	ssyncadd.s32 $0xFFFFD900  }
0x1d: {  	[spmem:s17], [sflag:s6] =	dma.local @!p0 [hbm:s7], $0x100  }
0x1e: {  	_ =	swait.ge @!p0 [sflag:s28], $0x100  }
0x1f: {  	[sflag:s28] =	ssyncset.done @!p0 $0x0  }
0x20: {  	[sflag:s28] =	ssyncadd.s32 @!p0 $0xFFFFFF00  }
0x21: {  	[tilespmem:s4], [sflag:$0x3] =	stream.linear.gather [hbm4b:s8+s4], $0x100, $0x38;
	[tilespmem:$0x1A280] =	vst v63  }
0x22: {  	_ =	swait.ge [sflag:s16], $0x100  }
0x23: {  	[sflag:s16] =	ssyncset.done $0x0  }
0x24: {  	[sflag:s16] =	ssyncadd.s32 $0xFFFFFF00  }
0x25: {  	[bflag:$0x0] =	sbarrier.arrive $0xFFFF  }
0x26: {  	[tilespmem:s19], [sflag:$0x2] =	stream.indirect.gather [hbm4b:s1+s18], $0x80, s4, s18, $0xb8;
	[tilespmem:$0x1A280] =	vst v63  }
0x27: {  	_ = 	snop  }
0x28: {  	[tilespmem:s20], [sflag:$0x1] =	stream.linear.gather [hbm4b:s9+s4], $0x100, $0x38;
	[tilespmem:$0x1A280] =	vst v63  }
0x29: {  	_ =	swait.ge [sflag:s21], $0x3200  }
0x2a: {  	[sflag:s21] =	ssyncset.done $0x0  }
0x2b: {  	[sflag:s21] =	ssyncadd.s32 $0xFFFFCE00  }
0x2c: {  	_ =	swait.ge [sflag:s22], $0x100  }
0x2d: {  	[sflag:s22] =	ssyncset.done $0x0  }
0x2e: {  	[sflag:s22] =	ssyncadd.s32 $0xFFFFFF00  }
0x2f: {  	[tilespmem:s23], [sflag:$0x2] =	stream.indirect.gather [hbm4b:s1+s18], $0x80, s20, s18, $0xb8;
	[tilespmem:$0x1A280] =	vst v63  }
0x30: {  	_ = 	snop  }
0x31: {  	[spmem:s2] =	stream.indirect.scatter.add.f32 [tilespmem:s19], [sflag:$0x3], $0x80, s24, s18, $0xb8;
	[tilespmem:$0x1A280] =	vst v63  }
0x32: {  	_ =	swait.ge [sflag:s16], $0x3200  }
0x33: {  	[sflag:s16] =	ssyncset.done $0x0  }
0x34: {  	s28 =	sadd.s32 $0x0, s14;
	[sflag:s16] =	ssyncadd.s32 $0xFFFFCE00  }
0x35: {  	[tilespmem:s4], [sflag:$0x1] =	stream.linear.gather [hbm4b:s28+s4], $0x100, $0x38;
	[tilespmem:$0x1A280] =	vst v63  }
0x36: {  	_ =	swait.ge [sflag:s21], $0x3200  }
0x37: {  	[sflag:s21] =	ssyncset.done $0x0  }
0x38: {  	[sflag:s21] =	ssyncadd.s32 $0xFFFFCE00  }
0x39: {  	_ =	swait.ge [sflag:s22], $0x100  }
0x3a: {  	[sflag:s22] =	ssyncset.done $0x0  }
0x3b: {  	[sflag:s22] =	ssyncadd.s32 $0xFFFFFF00  }
0x3c: {  	[tilespmem:s19], [sflag:$0x2] =	stream.indirect.gather [hbm4b:s1+s18], $0x80, s4, s18, $0xb8;
	[tilespmem:$0x1A280] =	vst v63  }
0x3d: {  	_ = 	snop  }
0x3e: {  	[spmem:s2] =	stream.indirect.scatter.add.f32 [tilespmem:s23], [sflag:$0x3], $0x80, s25, s18, $0xb8;
	[tilespmem:$0x1A280] =	vst v63  }
0x3f: {  	_ =	swait.ge [sflag:s16], $0x3200  }
0x40: {  	[sflag:s16] =	ssyncset.done $0x0  }
0x41: {  	s29 =	sadd.s32 $0x0, s13;
	s28 =	simm.s32 $0x40;
	[sflag:s16] =	ssyncadd.s32 $0xFFFFCE00  }
.LBB2_2:
0x42: {  	[tilespmem:s20], [sflag:$0x1] =	stream.linear.gather [hbm4b:s29+s4], $0x100, $0x38;
	[tilespmem:$0x1A280] =	vst v63  }
0x43: {  	s29 =	smov.u32 s28  }
0x44: {  	p1 =	sne.s32 s28, $0xC00;
	s28 =	sadd.s32 $0x40, s28;
	_ =	swait.ge [sflag:s21], $0x3200  }
0x45: {  	[sflag:s21] =	ssyncset.done $0x0  }
0x46: {  	[sflag:s21] =	ssyncadd.s32 $0xFFFFCE00  }
0x47: {  	_ =	swait.ge [sflag:s22], $0x100  }
0x48: {  	[sflag:s22] =	ssyncset.done $0x0  }
0x49: {  	[sflag:s22] =	ssyncadd.s32 $0xFFFFFF00  }
0x4a: {  	[tilespmem:s23], [sflag:$0x2] =	stream.indirect.gather [hbm4b:s1+s18], $0x80, s20, s18, $0xb8;
	[tilespmem:$0x1A280] =	vst v63  }
0x4b: {  	_ = 	snop  }
0x4c: {  	[spmem:s2] =	stream.indirect.scatter.add.f32 [tilespmem:s19], [sflag:$0x3], $0x80, s24, s18, $0xb8;
	[tilespmem:$0x1A280] =	vst v63  }
0x4d: {  	_ =	swait.ge [sflag:s16], $0x3200  }
0x4e: {  	[sflag:s16] =	ssyncset.done $0x0  }
0x4f: {  	s30 =	sadd.s32 s29, s14;
	[sflag:s16] =	ssyncadd.s32 $0xFFFFCE00  }
0x50: {  	[tilespmem:s4], [sflag:$0x1] =	stream.linear.gather [hbm4b:s30+s4], $0x100, $0x38;
	[tilespmem:$0x1A280] =	vst v63  }
0x51: {  	_ =	swait.ge [sflag:s21], $0x3200  }
0x52: {  	[sflag:s21] =	ssyncset.done $0x0  }
0x53: {  	[sflag:s21] =	ssyncadd.s32 $0xFFFFCE00  }
0x54: {  	_ =	swait.ge [sflag:s22], $0x100  }
0x55: {  	[sflag:s22] =	ssyncset.done $0x0  }
0x56: {  	[sflag:s22] =	ssyncadd.s32 $0xFFFFFF00  }
0x57: {  	[tilespmem:s19], [sflag:$0x2] =	stream.indirect.gather [hbm4b:s1+s18], $0x80, s4, s18, $0xb8;
	[tilespmem:$0x1A280] =	vst v63  }
.Ltmp0:
0x58: {  	(pc) =	sbr.rel @p1 .LBB2_2-.Ltmp0, $4  }
0x59: {  	[spmem:s2] =	stream.indirect.scatter.add.f32 [tilespmem:s23], [sflag:$0x3], $0x80, s25, s18, $0xb8;
	[tilespmem:$0x1A280] =	vst v63  }
0x5a: {  	_ =	swait.ge [sflag:s16], $0x3200  }
0x5b: {  	[sflag:s16] =	ssyncset.done $0x0  }
0x5c: {  	s29 =	sadd.s32 s29, s13;
	[sflag:s16] =	ssyncadd.s32 $0xFFFFCE00  }
0x5d: {  	[tilespmem:s20], [sflag:$0x1] =	stream.linear.gather [hbm4b:s29+s4], $0x100, $0x38;
	[tilespmem:$0x1A280] =	vst v63  }
0x5e: {  	_ =	swait.ge [sflag:s21], $0x3200  }
0x5f: {  	[sflag:s21] =	ssyncset.done $0x0  }
0x60: {  	[sflag:s21] =	ssyncadd.s32 $0xFFFFCE00  }
0x61: {  	_ =	swait.ge [sflag:s22], $0x100  }
0x62: {  	[sflag:s22] =	ssyncset.done $0x0  }
0x63: {  	[sflag:s22] =	ssyncadd.s32 $0xFFFFFF00  }
0x64: {  	[tilespmem:s23], [sflag:$0x2] =	stream.indirect.gather [hbm4b:s1+s18], $0x80, s20, s18, $0xb8;
	[tilespmem:$0x1A280] =	vst v63  }
0x65: {  	_ = 	snop  }
0x66: {  	[spmem:s2] =	stream.indirect.scatter.add.f32 [tilespmem:s19], [sflag:$0x3], $0x80, s24, s18, $0xb8;
	[tilespmem:$0x1A280] =	vst v63  }
0x67: {  	_ =	swait.ge [sflag:s16], $0x3200  }
0x68: {  	[sflag:s16] =	ssyncset.done $0x0  }
0x69: {  	[sflag:s16] =	ssyncadd.s32 $0xFFFFCE00  }
0x6a: {  	_ =	swait.ge [sflag:s21], $0x3200  }
0x6b: {  	[sflag:s21] =	ssyncset.done $0x0  }
0x6c: {  	[sflag:s21] =	ssyncadd.s32 $0xFFFFCE00  }
0x6d: {  	[spmem:s2] =	stream.indirect.scatter.add.f32 [tilespmem:s23], [sflag:$0x3], $0x80, s25, s18, $0xb8;
	[tilespmem:$0x1A280] =	vst v63  }
0x6e: {  	_ =	swait.ge [sflag:s16], $0x3200  }
0x6f: {  	[sflag:s16] =	ssyncset.done $0x0  }
0x70: {  	[sflag:s16] =	ssyncadd.s32 $0xFFFFCE00  }
0x71: {  	[bflag:$0x0] =	sbarrier.arrive $0xFFFF  }
0x72: {  	[hbm:s10], [sflag:s6] =	dma.local [spmem:s15], $0x2700  }
0x73: {  	s26 =	sadd.s32 $0x1, s26;
	_ =	swait.ge [sflag:s16], $0x2700  }
0x74: {  	p1 =	sne.s32 s26, s12;
	[sflag:s16] =	ssyncset.done $0x0  }
.Ltmp1:
0x75: {  	s28 =	simm.s32 @!p0 $0x3;
	[sflag:s16] =	ssyncadd.s32 $0xFFFFD900;
	(pc) =	sbr.rel @p1 .LBB2_1-.Ltmp1, $4  }
0x76: {  	[hbm:s11], [sflag:s6] =	dma.local @!p0 [spmem:s17], $0x100  }
0x77: {  	_ =	swait.ge @!p0 [sflag:s28], $0x100  }
0x78: {  	[sflag:s28] =	ssyncset.done @!p0 $0x0  }
0x79: {  	[sflag:s28] =	ssyncadd.s32 @!p0 $0xFFFFFF00  }
0x7a: {  	_ =	sfence.sel $0x180000  }
0x7b: {  	[bflag:$0x0] =	sbarrier.arrive $0xFFFF  }
0x7c: {  	p0 =	sne.s32 s3, $0x0;
	_ =	strace $0x90000047  }
0x7d: {  	s0 =	sadd.s32 @!p0 $0x100000, s0;
	[bflag:$0x2] =	sbarrier.arrive $0xFFFF  }
0x7e: {  	[sflag:s0] =	ssyncadd.tile.s32 @!p0 $0x1;
	_ =	shalt  }
.Lfunc_end2:
_tile_overlayer_lowered:
.L_overlay_start_2:
0x7f: {  	(tag) =	ssettag $0x2  }
0x80: {  	s0 =	rddreg [dreg:$0x0];
	s2 =	stileid.u32  }
0x81: {  	s1 =	rddreg [dreg:$0x1];
	p0 =	sne.s32 s2, $0x0  }
0x82: {  	s3 =	rddreg [dreg:$0x2];
	[bflag:$0x3] =	sbarrier.arrive $0xFFFF;
	s2 =	simm.s32 @!p0 $0x1C03  }
0x83: {  	[timem:s3], [sflag:s2] =	dma.local @!p0 [hbm:s0], s1  }
0x84: {  	s0 =	simm.s32 @!p0 $0x3  }
0x85: {  	_ =	swait.ge @!p0 [sflag:s0], s1  }
0x86: {  	s1 =	ssub.s32 @!p0 $0x0, s1;
	[sflag:s0] =	ssyncset.done @!p0 $0x0  }
0x87: {  	[sflag:s0] =	ssyncadd.s32 @!p0 s1  }
0x88: {  	[bflag:$0x3] =	sbarrier.arrive $0xFFFF  }
0x89: {  	_ =	shalt  }

</sc_bundles>
